<compile_context>
chip_gen: v7x
topology: tpu7x:2x2x1
jax: 0.10.2.dev20260603
libtpu: 0.0.44.dev20260713+nightly
codegen_flags: <defaults>
</compile_context>

<pallas_src>
import functools

import jax
import jax.numpy as jnp
from jax import lax
from jax.experimental import pallas as pl
from jax.experimental.pallas import tpu as pltpu
from jax.experimental.pallas import tpu_sc as plsc

NC = 2
NS = 16
CH = 128


def _xnorm_body(x_ref, norm_ref, o_ref):
    o_ref[...] = x_ref[...] * norm_ref[...]


def _mm_body(xnorm_ref, norm_ref, parts_ref, w_ref, b_ref, o_ref):
    xn = xnorm_ref[...]
    p = parts_ref[...]
    agg = (p[0] + p[1]) - xn
    t = agg * norm_ref[...]
    acc = jnp.dot(t, w_ref[...], preferred_element_type=jnp.float32)
    o_ref[...] = jnp.maximum(acc + b_ref[...], 0.0)


def _make_agg_kernel(n, n_pad, d, cpt):
    mesh = plsc.VectorSubcoreMesh(
        core_axis_name="c", subcore_axis_name="s", num_cores=NC,
        num_subcores=NS)
    rpt = (n // (8 * NS)) * 8
    rem = n - rpt * NS

    cpta = cpt

    @functools.partial(
        pl.kernel,
        out_type=jax.ShapeDtypeStruct((NC, n, d), jnp.float32),
        mesh=mesh,
        scratch_types=[
            pltpu.VMEM_SHARED((n_pad, d), jnp.float32),
            pltpu.VMEM((CH,), jnp.int32),
            pltpu.VMEM((CH,), jnp.int32),
            pltpu.VMEM((CH, d), jnp.float32),
            pltpu.SemaphoreType.DMA,
        ],
    )
    def agg(xnorm_hbm, src_hbm, dst_hbm, out_hbm, acc, src_v, dst_v,
            rows0, gsem):
        c = lax.axis_index("c")
        s = lax.axis_index("s")
        wid = c * NS + s

        pltpu.sync_copy(xnorm_hbm.at[pl.ds(s * rpt, rpt)],
                        acc.at[pl.ds(s * rpt, rpt)])
        if rem:
            @pl.when(s == 0)
            def _():
                pltpu.sync_copy(xnorm_hbm.at[pl.ds(NS * rpt, rem)],
                                acc.at[pl.ds(NS * rpt, rem)])
        plsc.subcore_barrier()

        def body(i, carry):
            base = (wid * cpta + i) * CH
            pltpu.sync_copy(src_hbm.at[pl.ds(base, CH)], src_v)
            pltpu.sync_copy(dst_hbm.at[pl.ds(base, CH)], dst_v)
            pltpu.async_copy(xnorm_hbm.at[src_v], rows0, gsem).wait()
            pltpu.sync_copy(rows0, acc.at[dst_v], add=True)
            return carry

        lax.fori_loop(0, cpt, body, 0)

        plsc.subcore_barrier()
        pltpu.sync_copy(acc.at[pl.ds(s * rpt, rpt)],
                        out_hbm.at[c, pl.ds(s * rpt, rpt)])
        if rem:
            @pl.when(s == 0)
            def _():
                pltpu.sync_copy(acc.at[pl.ds(NS * rpt, rem)],
                                out_hbm.at[c, pl.ds(NS * rpt, rem)])

    return agg


def kernel(X, ref_a, ref_b, norm, W, b):
    n, d = X.shape
    e = ref_a.shape[0]
    units = W.shape[1]

    n_pad = n + 512
    nw = NC * NS
    e2 = 2 * e
    cpt = -(-e2 // (nw * CH))
    pad = cpt * nw * CH - e2
    ppt = pad // nw

    n_scrap = 512
    ra = ref_a.astype(jnp.int32)
    rb = ref_b.astype(jnp.int32)
    pad_src = jnp.zeros((nw, ppt), jnp.int32)
    pad_dst = n + (jnp.arange(nw * ppt, dtype=jnp.int32)
                   % n_scrap).reshape(nw, ppt)
    src = jnp.concatenate(
        [jnp.concatenate([ra, rb]).reshape(nw, e2 // nw), pad_src],
        axis=1).reshape(-1)
    dst = jnp.concatenate(
        [jnp.concatenate([rb, ra]).reshape(nw, e2 // nw), pad_dst],
        axis=1).reshape(-1)

    bm = 1000
    grid = n // bm

    xnorm = pl.pallas_call(
        _xnorm_body,
        grid=(grid,),
        in_specs=[
            pl.BlockSpec((bm, d), lambda i: (i, 0)),
            pl.BlockSpec((bm, 1), lambda i: (i, 0)),
        ],
        out_specs=pl.BlockSpec((bm, d), lambda i: (i, 0)),
        out_shape=jax.ShapeDtypeStruct((n, d), jnp.float32),
    )(X, norm)

    parts = _make_agg_kernel(n, n_pad, d, cpt)(xnorm, src, dst)

    b2 = b.reshape(1, units)
    out = pl.pallas_call(
        _mm_body,
        grid=(grid,),
        in_specs=[
            pl.BlockSpec((bm, d), lambda i: (i, 0)),
            pl.BlockSpec((bm, 1), lambda i: (i, 0)),
            pl.BlockSpec((NC, bm, d), lambda i: (0, i, 0)),
            pl.BlockSpec((d, units), lambda i: (0, 0)),
            pl.BlockSpec((1, units), lambda i: (0, 0)),
        ],
        out_specs=pl.BlockSpec((bm, units), lambda i: (i, 0)),
        out_shape=jax.ShapeDtypeStruct((n, units), jnp.float32),
    )(xnorm, norm, parts, W, b2)

    return out

# --- scband reference (transcript-rebuilt; emitter-appended) ---
"""Pipeline reference for scband-gcnlayer-39771397161472 (READ-ONLY COPY).

The authoritative reference and input builder live on the scoring server;
editing this copy changes nothing except your own understanding.
"""

import jax, jax.numpy as jnp
import numpy as np

N, D, E, UNITS = 10000, 128, 320000, 128

def setup_inputs(seed: int = 0) -> dict:
    key = jax.random.key(seed)
    kX, ka, kb, kn, kW = jax.random.split(key, 5)
    X = jax.random.normal(kX, (N, D), dtype=jnp.float32)
    ref_a = jax.random.randint(ka, (E,), 0, N)
    ref_b = jax.random.randint(kb, (E,), 0, N)
    norm = jax.random.uniform(kn, (N, 1), dtype=jnp.float32)
    # Glorot-uniform-like init for W, zeros for b (per keras build())
    limit = np.sqrt(6.0 / (D + UNITS))
    W = jax.random.uniform(kW, (D, UNITS), dtype=jnp.float32, minval=-limit, maxval=limit)
    b = jnp.zeros((UNITS,), dtype=jnp.float32)
    return {"X": X, "ref_a": ref_a, "ref_b": ref_b, "norm": norm, "W": W, "b": b}

def wl1_convolution(X_agg, X, ref_a, ref_b, directed=False):
    # X_a = gather(X, ref_a); scatter_add into X_agg at ref_b
    X_agg = X_agg.at[ref_b].add(jnp.take(X, ref_a, axis=0))
    if not directed:
        X_agg = X_agg.at[ref_a].add(jnp.take(X, ref_b, axis=0))
    return X_agg

def reference(X, ref_a, ref_b, norm, W, b):
    X_norm = X * norm
    X_agg = wl1_convolution(X_norm, X_norm, ref_a, ref_b, directed=False)
    X_aggnorm = X_agg * norm
    X_out = X_aggnorm @ W
    X_out = X_out + b
    X_out = jax.nn.relu(X_out)
    return X_out

if __name__ == "__main__":
    import jax
    _d = setup_inputs()
    print(jax.jit(kernel)(*tuple(_d.values())))

</pallas_src>

<mosaic_0001>
#map = affine_map<(d0, d1) -> (0, 0)>
#map1 = affine_map<(d0, d1) -> (0)>
#map2 = affine_map<(d0, d1) -> (0, 0, 0)>
module attributes {stable_mosaic.version = 14 : i64} {
  func.func @agg(%arg0: i32, %arg1: i32, %arg2: memref<10000x128xf32, #tpu.memory_space<hbm>>, %arg3: memref<643072xi32, #tpu.memory_space<hbm>>, %arg4: memref<643072xi32, #tpu.memory_space<hbm>>, %arg5: memref<2x10000x128xf32, #tpu.memory_space<hbm>>, %arg6: memref<10512x128xf32, #tpu.memory_space<vmem_shared>>, %arg7: memref<128xi32, #tpu.memory_space<vmem>>, %arg8: memref<128xi32, #tpu.memory_space<vmem>>, %arg9: memref<128x128xf32, #tpu.memory_space<vmem>>, %arg10: memref<!tpu.dma_semaphore, #tpu.memory_space<semaphore_mem>>) attributes {dimension_semantics = [#tpu.dimension_semantics<core_parallel>, #tpu.dimension_semantics<subcore_parallel>], iteration_bounds = array<i64: 2, 16>, scalar_prefetch = 0 : i64, scratch_operands = 5 : i64, tpu.core_type = #tpu.core_type<sc_vector_subcore>, window_params = [{transform_indices = #map}, {transform_indices = #map1}, {transform_indices = #map1}, {transform_indices = #map2}]} {
    %mul3A = arith.constant 16 : i32
    %mul3A_0 = arith.muli %arg0, %mul3A : i32
    %add3A = arith.addi %mul3A_0, %arg1 : i32
    %mul3A_1 = arith.constant 624 : i32
    %mul3A_2 = arith.muli %arg1, %mul3A_1 : i32
    %mul3A_3 = arith.constant 624 : i32
    %mul3A_4 = arith.muli %arg1, %mul3A_3 : i32
    "tpu.region"() ({
      %run_scoped3A = tpu.sem_alloc : memref<!tpu.dma_semaphore, #tpu.memory_space<semaphore_mem>>
      %dma_start3A = arith.constant 0 : i32
      %dma_start3A_22 = tpu.memref_slice %arg6[%mul3A_4, %dma_start3A] : memref<10512x128xf32, #tpu.memory_space<vmem_shared>> -> memref<624x128xf32, #tpu.memory_space<vmem_shared>>
      %dma_start3A_23 = arith.constant 0 : i32
      %dma_start3A_24 = tpu.memref_slice %arg2[%mul3A_2, %dma_start3A_23] : memref<10000x128xf32, #tpu.memory_space<hbm>> -> memref<624x128xf32, #tpu.memory_space<hbm>>
      tpu.enqueue_dma source(%dma_start3A_24 : memref<624x128xf32, #tpu.memory_space<hbm>>) target(%dma_start3A_22 : memref<624x128xf32, #tpu.memory_space<vmem_shared>>) target_semaphore(%run_scoped3A : memref<!tpu.dma_semaphore, #tpu.memory_space<semaphore_mem>>)
      %dma_wait3A = arith.constant 0 : i32
      %dma_wait3A_25 = tpu.memref_slice %arg6[%mul3A_4, %dma_wait3A] : memref<10512x128xf32, #tpu.memory_space<vmem_shared>> -> memref<624x128xf32, #tpu.memory_space<vmem_shared>>
      %dma_wait3A_26 = arith.constant 0 : i32
      %dma_wait3A_27 = tpu.memref_slice %arg2[%mul3A_2, %dma_wait3A_26] : memref<10000x128xf32, #tpu.memory_space<hbm>> -> memref<624x128xf32, #tpu.memory_space<hbm>>
      tpu.wait_dma2 semaphore(%run_scoped3A : memref<!tpu.dma_semaphore, #tpu.memory_space<semaphore_mem>>) src(%dma_wait3A_27 : memref<624x128xf32, #tpu.memory_space<hbm>>) dst(%dma_wait3A_25 : memref<624x128xf32, #tpu.memory_space<vmem_shared>>)
      tpu.yield
    }) : () -> ()
    %eq3A = arith.constant 0 : i32
    %eq3A_5 = arith.cmpi eq, %arg1, %eq3A : i32
    %convert_element_type3A = arith.extui %eq3A_5 : i1 to i32
    %cond3A = arith.constant 0 : i32
    %cond3A_6 = arith.cmpi ne, %convert_element_type3A, %cond3A : i32
    scf.if %cond3A_6 {
      "tpu.region"() ({
        %run_scoped3A = tpu.sem_alloc : memref<!tpu.dma_semaphore, #tpu.memory_space<semaphore_mem>>
        %dma_start3A = arith.constant 9984 : i32
        %dma_start3A_22 = arith.constant 0 : i32
        %dma_start3A_23 = tpu.memref_slice %arg6[%dma_start3A, %dma_start3A_22] : memref<10512x128xf32, #tpu.memory_space<vmem_shared>> -> memref<16x128xf32, #tpu.memory_space<vmem_shared>>
        %dma_start3A_24 = arith.constant 9984 : i32
        %dma_start3A_25 = arith.constant 0 : i32
        %dma_start3A_26 = tpu.memref_slice %arg2[%dma_start3A_24, %dma_start3A_25] : memref<10000x128xf32, #tpu.memory_space<hbm>> -> memref<16x128xf32, #tpu.memory_space<hbm>>
        tpu.enqueue_dma source(%dma_start3A_26 : memref<16x128xf32, #tpu.memory_space<hbm>>) target(%dma_start3A_23 : memref<16x128xf32, #tpu.memory_space<vmem_shared>>) target_semaphore(%run_scoped3A : memref<!tpu.dma_semaphore, #tpu.memory_space<semaphore_mem>>)
        %dma_wait3A = arith.constant 9984 : i32
        %dma_wait3A_27 = arith.constant 0 : i32
        %dma_wait3A_28 = tpu.memref_slice %arg6[%dma_wait3A, %dma_wait3A_27] : memref<10512x128xf32, #tpu.memory_space<vmem_shared>> -> memref<16x128xf32, #tpu.memory_space<vmem_shared>>
        %dma_wait3A_29 = arith.constant 9984 : i32
        %dma_wait3A_30 = arith.constant 0 : i32
        %dma_wait3A_31 = tpu.memref_slice %arg2[%dma_wait3A_29, %dma_wait3A_30] : memref<10000x128xf32, #tpu.memory_space<hbm>> -> memref<16x128xf32, #tpu.memory_space<hbm>>
        tpu.wait_dma2 semaphore(%run_scoped3A : memref<!tpu.dma_semaphore, #tpu.memory_space<semaphore_mem>>) src(%dma_wait3A_31 : memref<16x128xf32, #tpu.memory_space<hbm>>) dst(%dma_wait3A_28 : memref<16x128xf32, #tpu.memory_space<vmem_shared>>)
        tpu.yield
      }) : () -> ()
    } else {
    }
    %barrier3A = arith.constant 0 : index
    tpu.barrier barrier_id(%barrier3A)
    %scan3A = arith.constant 0 : i32
    %scan3A_7 = arith.constant 0 : i32
    %scan3A_8 = arith.constant 157 : i32
    %scan3A_9 = arith.addi %scan3A_7, %scan3A_8 : i32
    %scan3A_10 = arith.constant 1 : i32
    scf.for %scan3A_22 = %scan3A_7 to %scan3A_9 step %scan3A_10  : i32 {
      %mul3A_23 = arith.constant 157 : i32
      %mul3A_24 = arith.muli %add3A, %mul3A_23 : i32
      %add3A_25 = arith.addi %mul3A_24, %scan3A_22 : i32
      %mul3A_26 = arith.constant 128 : i32
      %mul3A_27 = arith.muli %add3A_25, %mul3A_26 : i32
      "tpu.region"() ({
        %run_scoped3A = tpu.sem_alloc : memref<!tpu.dma_semaphore, #tpu.memory_space<semaphore_mem>>
        %dma_start3A_32 = tpu.memref_slice %arg3[%mul3A_27] : memref<643072xi32, #tpu.memory_space<hbm>> -> memref<128xi32, #tpu.memory_space<hbm>>
        %dma_start3A_33 = tpu.memref_slice %arg3[%mul3A_27] : memref<643072xi32, #tpu.memory_space<hbm>> -> memref<128xi32, #tpu.memory_space<hbm>>
        tpu.enqueue_dma source(%dma_start3A_33 : memref<128xi32, #tpu.memory_space<hbm>>) target(%arg7 : memref<128xi32, #tpu.memory_space<vmem>>) target_semaphore(%run_scoped3A : memref<!tpu.dma_semaphore, #tpu.memory_space<semaphore_mem>>)
        %dma_wait3A_34 = tpu.memref_slice %arg3[%mul3A_27] : memref<643072xi32, #tpu.memory_space<hbm>> -> memref<128xi32, #tpu.memory_space<hbm>>
        %dma_wait3A_35 = tpu.memref_slice %arg3[%mul3A_27] : memref<643072xi32, #tpu.memory_space<hbm>> -> memref<128xi32, #tpu.memory_space<hbm>>
        tpu.wait_dma2 semaphore(%run_scoped3A : memref<!tpu.dma_semaphore, #tpu.memory_space<semaphore_mem>>) src(%dma_wait3A_35 : memref<128xi32, #tpu.memory_space<hbm>>) dst(%arg7 : memref<128xi32, #tpu.memory_space<vmem>>)
        tpu.yield
      }) : () -> ()
      "tpu.region"() ({
        %run_scoped3A = tpu.sem_alloc : memref<!tpu.dma_semaphore, #tpu.memory_space<semaphore_mem>>
        %dma_start3A_32 = tpu.memref_slice %arg4[%mul3A_27] : memref<643072xi32, #tpu.memory_space<hbm>> -> memref<128xi32, #tpu.memory_space<hbm>>
        %dma_start3A_33 = tpu.memref_slice %arg4[%mul3A_27] : memref<643072xi32, #tpu.memory_space<hbm>> -> memref<128xi32, #tpu.memory_space<hbm>>
        tpu.enqueue_dma source(%dma_start3A_33 : memref<128xi32, #tpu.memory_space<hbm>>) target(%arg8 : memref<128xi32, #tpu.memory_space<vmem>>) target_semaphore(%run_scoped3A : memref<!tpu.dma_semaphore, #tpu.memory_space<semaphore_mem>>)
        %dma_wait3A_34 = tpu.memref_slice %arg4[%mul3A_27] : memref<643072xi32, #tpu.memory_space<hbm>> -> memref<128xi32, #tpu.memory_space<hbm>>
        %dma_wait3A_35 = tpu.memref_slice %arg4[%mul3A_27] : memref<643072xi32, #tpu.memory_space<hbm>> -> memref<128xi32, #tpu.memory_space<hbm>>
        tpu.wait_dma2 semaphore(%run_scoped3A : memref<!tpu.dma_semaphore, #tpu.memory_space<semaphore_mem>>) src(%dma_wait3A_35 : memref<128xi32, #tpu.memory_space<hbm>>) dst(%arg8 : memref<128xi32, #tpu.memory_space<vmem>>)
        tpu.yield
      }) : () -> ()
      %dma_start3A = arith.constant 0 : i32
      %dma_start3A_28 = arith.constant 0 : i32
      %dma_start3A_29 = tpu.memref_slice %arg2[%dma_start3A, %dma_start3A_28] : memref<10000x128xf32, #tpu.memory_space<hbm>> -> memref<10000x128xf32, #tpu.memory_space<hbm>>
      tpu.enqueue_indirect_dma source(%dma_start3A_29 : memref<10000x128xf32, #tpu.memory_space<hbm>>) target(%arg9 : memref<128x128xf32, #tpu.memory_space<vmem>>) offsets(%arg7 : memref<128xi32, #tpu.memory_space<vmem>>) semaphore(%arg10 : memref<!tpu.dma_semaphore, #tpu.memory_space<semaphore_mem>>)
      %dma_wait3A = arith.constant 0 : i32
      %dma_wait3A_30 = arith.constant 0 : i32
      %dma_wait3A_31 = tpu.memref_slice %arg2[%dma_wait3A, %dma_wait3A_30] : memref<10000x128xf32, #tpu.memory_space<hbm>> -> memref<10000x128xf32, #tpu.memory_space<hbm>>
      tpu.wait_indirect_dma semaphore(%arg10 : memref<!tpu.dma_semaphore, #tpu.memory_space<semaphore_mem>>) src(%dma_wait3A_31 : memref<10000x128xf32, #tpu.memory_space<hbm>>) dst(%arg9 : memref<128x128xf32, #tpu.memory_space<vmem>>)
      "tpu.region"() ({
        %run_scoped3A = tpu.sem_alloc : memref<!tpu.dma_semaphore, #tpu.memory_space<semaphore_mem>>
        %dma_start3A_32 = arith.constant 0 : i32
        %dma_start3A_33 = arith.constant 0 : i32
        %dma_start3A_34 = tpu.memref_slice %arg6[%dma_start3A_32, %dma_start3A_33] : memref<10512x128xf32, #tpu.memory_space<vmem_shared>> -> memref<10512x128xf32, #tpu.memory_space<vmem_shared>>
        tpu.enqueue_indirect_dma source(%arg9 : memref<128x128xf32, #tpu.memory_space<vmem>>) target(%dma_start3A_34 : memref<10512x128xf32, #tpu.memory_space<vmem_shared>>) offsets(%arg8 : memref<128xi32, #tpu.memory_space<vmem>>) semaphore(%run_scoped3A : memref<!tpu.dma_semaphore, #tpu.memory_space<semaphore_mem>>) {add = true}
        %dma_wait3A_35 = arith.constant 0 : i32
        %dma_wait3A_36 = arith.constant 0 : i32
        %dma_wait3A_37 = tpu.memref_slice %arg6[%dma_wait3A_35, %dma_wait3A_36] : memref<10512x128xf32, #tpu.memory_space<vmem_shared>> -> memref<10512x128xf32, #tpu.memory_space<vmem_shared>>
        tpu.wait_indirect_dma semaphore(%run_scoped3A : memref<!tpu.dma_semaphore, #tpu.memory_space<semaphore_mem>>) src(%arg9 : memref<128x128xf32, #tpu.memory_space<vmem>>) dst(%dma_wait3A_37 : memref<10512x128xf32, #tpu.memory_space<vmem_shared>>)
        tpu.yield
      }) : () -> ()
    }
    %scan3A_11 = arith.constant 157 : i32
    %barrier3A_12 = arith.constant 0 : index
    tpu.barrier barrier_id(%barrier3A_12)
    %mul3A_13 = arith.constant 624 : i32
    %mul3A_14 = arith.muli %arg1, %mul3A_13 : i32
    %mul3A_15 = arith.constant 624 : i32
    %mul3A_16 = arith.muli %arg1, %mul3A_15 : i32
    "tpu.region"() ({
      %run_scoped3A = tpu.sem_alloc : memref<!tpu.dma_semaphore, #tpu.memory_space<semaphore_mem>>
      %dma_start3A = arith.constant 0 : i32
      %dma_start3A_22 = tpu.memref_slice %arg5[%arg0, %mul3A_16, %dma_start3A] : memref<2x10000x128xf32, #tpu.memory_space<hbm>> -> memref<1x624x128xf32, #tpu.memory_space<hbm>>
      %dma_start3A_23 = tpu.memref_squeeze %dma_start3A_22 : memref<1x624x128xf32, #tpu.memory_space<hbm>> -> memref<624x128xf32, #tpu.memory_space<hbm>>
      %dma_start3A_24 = arith.constant 0 : i32
      %dma_start3A_25 = tpu.memref_slice %arg6[%mul3A_14, %dma_start3A_24] : memref<10512x128xf32, #tpu.memory_space<vmem_shared>> -> memref<624x128xf32, #tpu.memory_space<vmem_shared>>
      tpu.enqueue_dma source(%dma_start3A_25 : memref<624x128xf32, #tpu.memory_space<vmem_shared>>) target(%dma_start3A_23 : memref<624x128xf32, #tpu.memory_space<hbm>>) target_semaphore(%run_scoped3A : memref<!tpu.dma_semaphore, #tpu.memory_space<semaphore_mem>>)
      %dma_wait3A = arith.constant 0 : i32
      %dma_wait3A_26 = tpu.memref_slice %arg5[%arg0, %mul3A_16, %dma_wait3A] : memref<2x10000x128xf32, #tpu.memory_space<hbm>> -> memref<1x624x128xf32, #tpu.memory_space<hbm>>
      %dma_wait3A_27 = tpu.memref_squeeze %dma_wait3A_26 : memref<1x624x128xf32, #tpu.memory_space<hbm>> -> memref<624x128xf32, #tpu.memory_space<hbm>>
      %dma_wait3A_28 = arith.constant 0 : i32
      %dma_wait3A_29 = tpu.memref_slice %arg6[%mul3A_14, %dma_wait3A_28] : memref<10512x128xf32, #tpu.memory_space<vmem_shared>> -> memref<624x128xf32, #tpu.memory_space<vmem_shared>>
      tpu.wait_dma2 semaphore(%run_scoped3A : memref<!tpu.dma_semaphore, #tpu.memory_space<semaphore_mem>>) src(%dma_wait3A_29 : memref<624x128xf32, #tpu.memory_space<vmem_shared>>) dst(%dma_wait3A_27 : memref<624x128xf32, #tpu.memory_space<hbm>>)
      tpu.yield
    }) : () -> ()
    %eq3A_17 = arith.constant 0 : i32
    %eq3A_18 = arith.cmpi eq, %arg1, %eq3A_17 : i32
    %convert_element_type3A_19 = arith.extui %eq3A_18 : i1 to i32
    %cond3A_20 = arith.constant 0 : i32
    %cond3A_21 = arith.cmpi ne, %convert_element_type3A_19, %cond3A_20 : i32
    scf.if %cond3A_21 {
      "tpu.region"() ({
        %run_scoped3A = tpu.sem_alloc : memref<!tpu.dma_semaphore, #tpu.memory_space<semaphore_mem>>
        %dma_start3A = arith.constant 9984 : i32
        %dma_start3A_22 = arith.constant 0 : i32
        %dma_start3A_23 = tpu.memref_slice %arg5[%arg0, %dma_start3A, %dma_start3A_22] : memref<2x10000x128xf32, #tpu.memory_space<hbm>> -> memref<1x16x128xf32, #tpu.memory_space<hbm>>
        %dma_start3A_24 = tpu.memref_squeeze %dma_start3A_23 : memref<1x16x128xf32, #tpu.memory_space<hbm>> -> memref<16x128xf32, #tpu.memory_space<hbm>>
        %dma_start3A_25 = arith.constant 9984 : i32
        %dma_start3A_26 = arith.constant 0 : i32
        %dma_start3A_27 = tpu.memref_slice %arg6[%dma_start3A_25, %dma_start3A_26] : memref<10512x128xf32, #tpu.memory_space<vmem_shared>> -> memref<16x128xf32, #tpu.memory_space<vmem_shared>>
        tpu.enqueue_dma source(%dma_start3A_27 : memref<16x128xf32, #tpu.memory_space<vmem_shared>>) target(%dma_start3A_24 : memref<16x128xf32, #tpu.memory_space<hbm>>) target_semaphore(%run_scoped3A : memref<!tpu.dma_semaphore, #tpu.memory_space<semaphore_mem>>)
        %dma_wait3A = arith.constant 9984 : i32
        %dma_wait3A_28 = arith.constant 0 : i32
        %dma_wait3A_29 = tpu.memref_slice %arg5[%arg0, %dma_wait3A, %dma_wait3A_28] : memref<2x10000x128xf32, #tpu.memory_space<hbm>> -> memref<1x16x128xf32, #tpu.memory_space<hbm>>
        %dma_wait3A_30 = tpu.memref_squeeze %dma_wait3A_29 : memref<1x16x128xf32, #tpu.memory_space<hbm>> -> memref<16x128xf32, #tpu.memory_space<hbm>>
        %dma_wait3A_31 = arith.constant 9984 : i32
        %dma_wait3A_32 = arith.constant 0 : i32
        %dma_wait3A_33 = tpu.memref_slice %arg6[%dma_wait3A_31, %dma_wait3A_32] : memref<10512x128xf32, #tpu.memory_space<vmem_shared>> -> memref<16x128xf32, #tpu.memory_space<vmem_shared>>
        tpu.wait_dma2 semaphore(%run_scoped3A : memref<!tpu.dma_semaphore, #tpu.memory_space<semaphore_mem>>) src(%dma_wait3A_33 : memref<16x128xf32, #tpu.memory_space<vmem_shared>>) dst(%dma_wait3A_30 : memref<16x128xf32, #tpu.memory_space<hbm>>)
        tpu.yield
      }) : () -> ()
    } else {
    }
    return
  }
}

module attributes {stable_mosaic.version = 14 : i64} {
  func.func @_xnorm_body(%arg0: i32, %arg1: memref<1000x128xf32, #tpu.memory_space<vmem>>, %arg2: memref<1000x1xf32, #tpu.memory_space<vmem>>, %arg3: memref<1000x128xf32, #tpu.memory_space<vmem>>) attributes {dimension_semantics = [#tpu.dimension_semantics<arbitrary>], iteration_bounds = array<i64: 10>, scalar_prefetch = 0 : i64, scratch_operands = 0 : i64, tpu.core_type = #tpu.core_type<tc>, window_params = [{transform_indices = @transform_0, window_bounds = array<i64: 1000, 128>}, {transform_indices = @transform_1, window_bounds = array<i64: 1000, 1>}, {transform_indices = @transform_2, window_bounds = array<i64: 1000, 128>}]} {
    %get3A = arith.constant 0 : index
    %get3A_0 = arith.constant 0 : index
    %get3A_1 = vector.load %arg1[%get3A, %get3A_0] : memref<1000x128xf32, #tpu.memory_space<vmem>>, vector<1000x128xf32>
    %get3A_2 = arith.constant 0 : index
    %get3A_3 = arith.constant 0 : index
    %get3A_4 = vector.load %arg2[%get3A_2, %get3A_3] : memref<1000x1xf32, #tpu.memory_space<vmem>>, vector<1000x1xf32>
    %mul3A = vector.broadcast %get3A_4 : vector<1000x1xf32> to vector<1000x128xf32>
    %mul3A_5 = arith.mulf %get3A_1, %mul3A : vector<1000x128xf32>
    %swap3A = arith.constant 0 : index
    %swap3A_6 = arith.constant 0 : index
    %swap3A_7 = vector.load %arg3[%swap3A, %swap3A_6] : memref<1000x128xf32, #tpu.memory_space<vmem>>, vector<1000x128xf32>
    tpu.vector_store %arg3[%swap3A, %swap3A_6], %mul3A_5 {strides = array<i32>} : memref<1000x128xf32, #tpu.memory_space<vmem>>, vector<1000x128xf32>,
    return
  }
  func.func @transform_0(%arg0: i32) -> (i32, i32) {
    %c0_i32 = arith.constant 0 : i32
    %c0_i32_0 = arith.constant 0 : i32
    return %arg0, %c0_i32 : i32, i32
  }
  func.func @transform_1(%arg0: i32) -> (i32, i32) {
    %c0_i32 = arith.constant 0 : i32
    %c0_i32_0 = arith.constant 0 : i32
    return %arg0, %c0_i32 : i32, i32
  }
  func.func @transform_2(%arg0: i32) -> (i32, i32) {
    %c0_i32 = arith.constant 0 : i32
    %c0_i32_0 = arith.constant 0 : i32
    return %arg0, %c0_i32 : i32, i32
  }
}

module attributes {stable_mosaic.version = 14 : i64} {
  func.func @_mm_body(%arg0: i32, %arg1: memref<1000x128xf32, #tpu.memory_space<vmem>>, %arg2: memref<1000x1xf32, #tpu.memory_space<vmem>>, %arg3: memref<2x1000x128xf32, #tpu.memory_space<vmem>>, %arg4: memref<128x128xf32, #tpu.memory_space<vmem>>, %arg5: memref<1x128xf32, #tpu.memory_space<vmem>>, %arg6: memref<1000x128xf32, #tpu.memory_space<vmem>>) attributes {dimension_semantics = [#tpu.dimension_semantics<arbitrary>], iteration_bounds = array<i64: 10>, scalar_prefetch = 0 : i64, scratch_operands = 0 : i64, tpu.core_type = #tpu.core_type<tc>, window_params = [{transform_indices = @transform_0, window_bounds = array<i64: 1000, 128>}, {transform_indices = @transform_1, window_bounds = array<i64: 1000, 1>}, {transform_indices = @transform_2, window_bounds = array<i64: 2, 1000, 128>}, {pipeline_mode = #tpu.pipeline_mode<synchronous>, transform_indices = @transform_3, window_bounds = array<i64: 128, 128>}, {pipeline_mode = #tpu.pipeline_mode<synchronous>, transform_indices = @transform_4, window_bounds = array<i64: 1, 128>}, {transform_indices = @transform_5, window_bounds = array<i64: 1000, 128>}]} {
    %get3A = arith.constant 0 : index
    %get3A_0 = arith.constant 0 : index
    %get3A_1 = vector.load %arg1[%get3A, %get3A_0] : memref<1000x128xf32, #tpu.memory_space<vmem>>, vector<1000x128xf32>
    %get3A_2 = arith.constant 0 : index
    %get3A_3 = arith.constant 0 : index
    %get3A_4 = arith.constant 0 : index
    %get3A_5 = vector.load %arg3[%get3A_2, %get3A_3, %get3A_4] : memref<2x1000x128xf32, #tpu.memory_space<vmem>>, vector<2x1000x128xf32>
    %slice3A = vector.extract_strided_slice %get3A_5 {offsets = [0, 0, 0], sizes = [1, 1000, 128], strides = [1, 1, 1]} : vector<2x1000x128xf32> to vector<1x1000x128xf32>
    %squeeze3A = vector.shape_cast %slice3A : vector<1x1000x128xf32> to vector<1000x128xf32>
    %slice3A_6 = vector.extract_strided_slice %get3A_5 {offsets = [1, 0, 0], sizes = [1, 1000, 128], strides = [1, 1, 1]} : vector<2x1000x128xf32> to vector<1x1000x128xf32>
    %squeeze3A_7 = vector.shape_cast %slice3A_6 : vector<1x1000x128xf32> to vector<1000x128xf32>
    %add3A = arith.addf %squeeze3A, %squeeze3A_7 : vector<1000x128xf32>
    %sub3A = arith.subf %add3A, %get3A_1 : vector<1000x128xf32>
    %get3A_8 = arith.constant 0 : index
    %get3A_9 = arith.constant 0 : index
    %get3A_10 = vector.load %arg2[%get3A_8, %get3A_9] : memref<1000x1xf32, #tpu.memory_space<vmem>>, vector<1000x1xf32>
    %mul3A = vector.broadcast %get3A_10 : vector<1000x1xf32> to vector<1000x128xf32>
    %mul3A_11 = arith.mulf %sub3A, %mul3A : vector<1000x128xf32>
    %get3A_12 = arith.constant 0 : index
    %get3A_13 = arith.constant 0 : index
    %get3A_14 = vector.load %arg4[%get3A_12, %get3A_13] : memref<128x128xf32, #tpu.memory_space<vmem>>, vector<128x128xf32>
    %dot_general3A = arith.constant dense<0.000000e+00> : vector<1000x128xf32>
    %dot_general3A_15 = tpu.matmul %mul3A_11, %get3A_14, %dot_general3A {dimension_numbers = #tpu.dot_dimension_numbers<[1], [0], [0], [1], [0, 0, 1, 1], [], []>, transpose_lhs_hint = false} : vector<1000x128xf32>, vector<128x128xf32>, vector<1000x128xf32> -> vector<1000x128xf32>
    %get3A_16 = arith.constant 0 : index
    %get3A_17 = arith.constant 0 : index
    %get3A_18 = vector.load %arg5[%get3A_16, %get3A_17] : memref<1x128xf32, #tpu.memory_space<vmem>>, vector<1x128xf32>
    %add3A_19 = vector.broadcast %get3A_18 : vector<1x128xf32> to vector<1000x128xf32>
    %add3A_20 = arith.addf %dot_general3A_15, %add3A_19 : vector<1000x128xf32>
    %max3A = arith.constant 0.000000e+00 : f32
    %max3A_21 = vector.broadcast %max3A : f32 to vector<1000x128xf32>
    %max3A_22 = arith.maximumf %add3A_20, %max3A_21 : vector<1000x128xf32>
    %swap3A = arith.constant 0 : index
    %swap3A_23 = arith.constant 0 : index
    %swap3A_24 = vector.load %arg6[%swap3A, %swap3A_23] : memref<1000x128xf32, #tpu.memory_space<vmem>>, vector<1000x128xf32>
    tpu.vector_store %arg6[%swap3A, %swap3A_23], %max3A_22 {strides = array<i32>} : memref<1000x128xf32, #tpu.memory_space<vmem>>, vector<1000x128xf32>,
    return
  }
  func.func @transform_0(%arg0: i32) -> (i32, i32) {
    %c0_i32 = arith.constant 0 : i32
    %c0_i32_0 = arith.constant 0 : i32
    return %arg0, %c0_i32 : i32, i32
  }
  func.func @transform_1(%arg0: i32) -> (i32, i32) {
    %c0_i32 = arith.constant 0 : i32
    %c0_i32_0 = arith.constant 0 : i32
    return %arg0, %c0_i32 : i32, i32
  }
  func.func @transform_2(%arg0: i32) -> (i32, i32, i32) {
    %c0_i32 = arith.constant 0 : i32
    %c0_i32_0 = arith.constant 0 : i32
    %c0_i32_1 = arith.constant 0 : i32
    return %c0_i32, %arg0, %c0_i32_0 : i32, i32, i32
  }
  func.func @transform_3(%arg0: i32) -> (i32, i32) {
    %c0_i32 = arith.constant 0 : i32
    %c0_i32_0 = arith.constant 0 : i32
    %c0_i32_1 = arith.constant 0 : i32
    return %c0_i32, %c0_i32_0 : i32, i32
  }
  func.func @transform_4(%arg0: i32) -> (i32, i32) {
    %c0_i32 = arith.constant 0 : i32
    %c0_i32_0 = arith.constant 0 : i32
    %c0_i32_1 = arith.constant 0 : i32
    return %c0_i32, %c0_i32_0 : i32, i32
  }
  func.func @transform_5(%arg0: i32) -> (i32, i32) {
    %c0_i32 = arith.constant 0 : i32
    %c0_i32_0 = arith.constant 0 : i32
    return %arg0, %c0_i32 : i32, i32
  }
}

</mosaic_0001>

<sc_bundles>
// kernel: kernel.5.cloned.1.call-start
scs
__scs_entry_jumppad:
0x0: {  	(pc) =	sbr.rel $0x88, $3  }
0x1: {  	(tag) =	ssettag $0x0;
	lr =	simm.s32 $0x1  }
0x2: {  	[smem:$0x3F9B] =	sst lr;
	_ =	strace $0xD0000000  }
0x3: {  	_ = 	snop  }
0x4: {  	_ = 	snop  }
0x5: {  	_ = 	snop  }
0x6: {  	_ = 	snop  }
0x7: {  	_ = 	snop  }
__scs_overlays_trampoline_lowered:
0x8: {  	[smem:$0x3FAA] =	sst s0  }
0x9: {  	[smem:$0x3FAB] =	sst s1  }
0xa: {  	[smem:$0x3FAC] =	sst s2  }
0xb: {  	[smem:$0x3FAD] =	sst s3  }
0xc: {  	[smem:$0x3FAE] =	sst s4  }
0xd: {  	[smem:$0x3FAF] =	sst s5  }
0xe: {  	[smem:$0x3FB0] =	sst s6  }
0xf: {  	[smem:$0x3FB1] =	sst s7  }
0x10: {  	[smem:$0x3FB2] =	sst s8  }
0x11: {  	[smem:$0x3FB3] =	sst s9;
	s0 =	simm.s32 @!p0 $0x0  }
0x12: {  	s1 =	sld [smem:$0x3F99];
	s0 =	simm.s32 @p0 $0x1  }
0x13: {  	[smem:$0x3FB4] =	sst s0;
	s0 =	simm.s32 @!p1 $0x0  }
0x14: {  	s2 =	sld [smem:$0x3F98];
	s0 =	simm.s32 @p1 $0x1  }
0x15: {  	[smem:$0x3FB5] =	sst s0;
	s0 =	simm.s32 @!p2 $0x0  }
0x16: {  	s3 =	sld [smem:$0x3FDB];
	s0 =	simm.s32 @p2 $0x1  }
0x17: {  	s4 =	simm.s32 $0x1BF5;
	[smem:$0x3FB7] =	sst s0  }
0x18: {  	s0 =	sld [smem:$0x3F9A];
	_ =	swait.ge [sflag:s4], $0x0  }
0x19: {  	s7 =	sld [smem:$0x3F9B]  }
0x1a: {  	s8 =	sadd.s32 $0xFFFFE003, lr  }
0x1b: {  	s9 =	sadd.s32 $0xFFFFFEF7, lr;
	s5 =	simm.s32 $0xFFFFFFFF;
	p2 =	slt.u32 s8, $0xFFFFF086  }
0x1c: {  	p1 =	slt.u32 s9, $0xF7A;
	s5 =	simm.s32 @!p2 $0x0  }
0x1d: {  	s5 =	simm.s32 @p1 $0x1;
	p0 =	seq.s32 s7, s2  }
0x1e: {  	s7 =	smul.u32 @!p0 $0xF7A, s2;
	p2 =	seq.s32 @!p0 s5, $0x0  }
0x1f: {  	s9 =	smul.u32 $0xF7A, s1;
	s8 =	simm.s32 @!p0 $0x1BF5;
	p2 =	por !p2, p0  }
0x20: {  	[sflag:s8] =	ssyncset.s32 @!p0 $0xFFFFF086;
	s6 =	sadd.s32 @!p0 s3, s7;
	s7 =	simm.s32 @!p0 $0x108  }
0x21: {  	s3 =	sadd.s32 s3, s9;
	s6 =	sadd.s32 @!p0 $0x88, s6;
	s7 =	simm.s32 @p2 $0x1082  }
0x22: {  	[simem:s7], [sflag:s8] =	dma.local @!p0 [hbm:s6], $0xF7A  }
0x23: {  	s9 =	sor.u32 $0xD0000000, s2;
	s6 =	simm.s32 $0x108;
	_ =	swait.ge @!p0 [sflag:s8], $0x0  }
0x24: {  	s3 =	sadd.s32 $0x88, s3;
	s6 =	simm.s32 @!p1 $0x1082;
	[sflag:s4] =	ssyncset.s32 $0xFFFFF086  }
0x25: {  	[simem:s6], [sflag:s4] =	dma.local [hbm:s3], $0xF7A  }
0x26: {  	[smem:$0x3F9B] =	sst s1;
	(tag) =	ssettag s2;
	_ =	strace s9  }
0x27: {  	s1 =	sld [smem:$0x3FAB]  }
0x28: {  	s2 =	sld [smem:$0x3FAC]  }
0x29: {  	s4 =	sld [smem:$0x3FAE]  }
0x2a: {  	p0 =	seq.s32 s5, $0x0;
	s5 =	sld [smem:$0x3FAF]  }
0x2b: {  	s6 =	sld [smem:$0x3FB0]  }
0x2c: {  	s7 =	sld [smem:$0x3FB1]  }
0x2d: {  	s3 =	simm.s32 $0x108;
	s8 =	sld [smem:$0x3FB2]  }
0x2e: {  	s3 =	simm.s32 @!p0 $0x1082;
	s9 =	sld [smem:$0x3FB3]  }
0x2f: {  	lr =	sadd.s32 s0, s3;
	s0 =	sld [smem:$0x3FAA]  }
0x30: {  	s3 =	sld [smem:$0x3FAD]  }
0x31: {  	[smem:$0x3FB6] =	sst s10  }
0x32: {  	s10 =	sld [smem:$0x3FB4];
	_ =	sdelay $0x3  }
0x33: {  	p0 =	seq.s32 s10, $0x1;
	s10 =	sld [smem:$0x3FB6];
	_ =	sdelay $0x3  }
0x34: {  	[smem:$0x3FB6] =	sst s10  }
0x35: {  	s10 =	sld [smem:$0x3FB5];
	_ =	sdelay $0x3  }
0x36: {  	p1 =	seq.s32 s10, $0x1;
	s10 =	sld [smem:$0x3FB6];
	_ =	sdelay $0x3  }
0x37: {  	[smem:$0x3FB6] =	sst s10  }
0x38: {  	s10 =	sld [smem:$0x3FB7]  }
0x39: {  	_ = 	snop;
	(pc) =	sbr.ind lr, $3  }
0x3a: {  	_ = 	snop  }
0x3b: {  	_ = 	snop  }
0x3c: {  	p2 =	seq.s32 s10, $0x1;
	s10 =	sld [smem:$0x3FB6]  }
0x3d: {  	_ =	shalt  }
0x3e: {  	_ =	shalt  }
0x3f: {  	_ =	shalt  }
0x40: {  	_ =	shalt  }
0x41: {  	_ =	shalt  }
0x42: {  	_ =	shalt  }
0x43: {  	_ =	shalt  }
0x44: {  	_ =	shalt  }
0x45: {  	_ =	shalt  }
0x46: {  	_ =	shalt  }
0x47: {  	_ =	shalt  }
0x48: {  	_ =	shalt  }
0x49: {  	_ =	shalt  }
0x4a: {  	_ =	shalt  }
0x4b: {  	_ =	shalt  }
0x4c: {  	_ =	shalt  }
0x4d: {  	_ =	shalt  }
0x4e: {  	_ =	shalt  }
0x4f: {  	_ =	shalt  }
0x50: {  	_ =	shalt  }
0x51: {  	_ =	shalt  }
0x52: {  	_ =	shalt  }
0x53: {  	_ =	shalt  }
0x54: {  	_ =	shalt  }
0x55: {  	_ =	shalt  }
0x56: {  	_ =	shalt  }
0x57: {  	_ =	shalt  }
0x58: {  	_ =	shalt  }
0x59: {  	_ =	shalt  }
0x5a: {  	_ =	shalt  }
0x5b: {  	_ =	shalt  }
0x5c: {  	_ =	shalt  }
0x5d: {  	_ =	shalt  }
0x5e: {  	_ =	shalt  }
0x5f: {  	_ =	shalt  }
0x60: {  	_ =	shalt  }
0x61: {  	_ =	shalt  }
0x62: {  	_ =	shalt  }
0x63: {  	_ =	shalt  }
0x64: {  	_ =	shalt  }
0x65: {  	_ =	shalt  }
0x66: {  	_ =	shalt  }
0x67: {  	_ =	shalt  }
0x68: {  	_ =	shalt  }
0x69: {  	_ =	shalt  }
0x6a: {  	_ =	shalt  }
0x6b: {  	_ =	shalt  }
0x6c: {  	_ =	shalt  }
0x6d: {  	_ =	shalt  }
0x6e: {  	_ =	shalt  }
0x6f: {  	_ =	shalt  }
0x70: {  	_ =	shalt  }
0x71: {  	_ =	shalt  }
0x72: {  	_ =	shalt  }
0x73: {  	_ =	shalt  }
0x74: {  	_ =	shalt  }
0x75: {  	_ =	shalt  }
0x76: {  	_ =	shalt  }
0x77: {  	_ =	shalt  }
0x78: {  	_ =	shalt  }
0x79: {  	_ =	shalt  }
0x7a: {  	_ =	shalt  }
0x7b: {  	_ =	shalt  }
0x7c: {  	_ =	shalt  }
0x7d: {  	_ =	shalt  }
0x7e: {  	_ =	shalt  }
0x7f: {  	_ =	shalt  }
0x80: {  	_ =	shalt  }
0x81: {  	_ =	shalt  }
0x82: {  	_ =	shalt  }
0x83: {  	_ =	shalt  }
0x84: {  	_ =	shalt  }
0x85: {  	_ =	shalt  }
0x86: {  	_ =	shalt  }
0x87: {  	_ =	shalt  }
.Lfunc_end0:
.L_simem_size_0:
called_computation_lowered:
.L_overlay_start_0:
0x88: {  	s2 =	sld [smem:$0x3FD9]  }
0x89: {  	s3 =	sld [smem:$0x3FFE];
	_ =	sdelay $0x1  }
0x8a: {  	s1 =	srdreg.scid  }
0x8b: {  	s0 =	sand.u32 $0x1, s1  }
0x8c: {  	s17 =	sshll.u32 s0, $0xA;
	s2 =	sadd.s32 s3, s2  }
0x8d: {  	s2 =	sadd.s32 s2, s17  }
0x8e: {  	[smem:$0x3FC2] =	sst s2  }
0x8f: {  	_ = 	snop  }
0x90: {  	s2 =	sld [smem:$0x3FD0];
	(tm) =	ssettm $0x1  }
0x91: {  	s18 =	sld [smem:$0x3FFB];
	_ =	sdelay $0x3  }
0x92: {  	_ =	strace s18  }
0x93: {  	s3 =	sld [smem:$0x3FFC];
	_ =	sdelay $0x3  }
0x94: {  	_ =	strace s3  }
0x95: {  	s3 =	sld [smem:$0x3FFD];
	_ =	sdelay $0x3  }
0x96: {  	_ =	strace s3  }
0x97: {  	_ =	strace $0x8FFFFFFF  }
0x98: {  	s19 =	sld [smem:$0x3FDB];
	_ =	sdelay $0x1  }
0x99: {  	s4 =	simm.s32 $_scs_section_size  }
0x9a: {  	s5 =	simm.s32 $_size__tile_overlayer_lowered;
	s6 =	simm.s32 $_tile_overlayer_lowered  }
0x9b: {  	s22 =	simm.s32 $0x1BFF;
	s21 =	sshll.u32 s6, $0x1;
	s3 =	sadd.s32 s4, s19  }
0x9c: {  	s7 =	simm.s32 $0x0;
	s20 =	sshll.u32 s5, $0x1;
	s5 =	sadd.s32 s21, s3  }
0x9d: {  	[timem:s7], [sflag:s22] =	dma.local [hbm:s5], s20  }
0x9e: {  	_ =	swait.ge [sflag:s22], s20  }
0x9f: {  	s4 =	ssub.s32 $0x0, s20;
	[sflag:s22] =	ssyncset.done $0x0  }
0xa0: {  	[sflag:s22] =	ssyncadd.s32 s4;
	_ =	sdelay $0x1  }
0xa1: {  	s23 =	simm.s32 $0x1B8B  }
0xa2: {  	_ =	swait.ge [sflag:s23], $0x1  }
0xa3: {  	[sflag:s23] =	ssyncset.done $0x0  }
0xa4: {  	s25 =	simm.s32 $0x1B8E;
	s24 =	sld [smem:$0x3FFE];
	[sflag:s23] =	ssyncadd.s32 $0xFFFFFFFF  }
0xa5: {  	s26 =	simm.s32 $execute0_lowered;
	[smem:$0x3FD2] =	sst s25  }
0xa6: {  	s5 =	sshll.u32 s26, $0x1;
	_ =	strace $0x80000046;
	[dreg:$0x1] =	wrdreg $0xFFFFFFFF  }
0xa7: {  	s28 =	simm.s32 $_size_execute0_lowered;
	s3 =	sadd.s32 s3, s5;
	[dreg:$0x0] =	wrdreg $0x0  }
0xa8: {  	s5 =	sshll.u32 s28, $0x1;
	[dreg:$0x2] =	wrdreg s3  }
0xa9: {  	[dreg:$0x3] =	wrdreg s5  }
0xaa: {  	[dreg:$0x4] =	wrdreg $0xC0  }
0xab: {  	_ =	task [dreg:s7], $0x5FFFF  }
0xac: {  	[dreg:$0x1] =	wrdreg $0xFFFFFFFF  }
0xad: {  	[dreg:$0x0] =	wrdreg $0x60  }
0xae: {  	[dreg:$0x2] =	wrdreg s2  }
0xaf: {  	[dreg:$0x3] =	wrdreg s24  }
0xb0: {  	[dreg:$0x4] =	wrdreg $0x0  }
0xb1: {  	[dreg:$0x5] =	wrdreg $0x9  }
0xb2: {  	_ =	task.clear_ibuf [dreg:s7], $0x6FFFF;
	_ =	strace $0x90000046  }
0xb3: {  	s29 =	simm.s32 $0x9;
	_ =	strace $0x80000048  }
0xb4: {  	_ =	swait.ge [sflag:s29], $0x1  }
0xb5: {  	[sflag:s29] =	ssyncadd.s32 $0xFFFFFFFF  }
0xb6: {  	_ =	strace $0x90000048  }
0xb7: {  	_ =	sfence  }
0xb8: {  	s30 =	sld [smem:$0x0];
	_ =	sdelay $0x2  }
0xb9: {  	s31 =	sshll.u32 s1, $0xD;
	s1 =	sshrl.u32 s1, $0x2  }
0xba: {  	s3 =	sand.u32 $0x4000, s31;
	s1 =	sadd.s32 s1, s30  }
0xbb: {  	s0 =	sor.u32 s3, s0;
	s1 =	sshll.u32 s1, $0x11  }
0xbc: {  	s0 =	sor.u32 s1, s0  }
0xbd: {  	s0 =	sadd.s32 $0x8F2B, s0  }
0xbe: {  	[sflag:s0] =	ssyncadd.remote.s32 $0x1  }
0xbf: {  	_ =	sfence.sel $0xFFFF  }
0xc0: {  	[dreg:$0x0] =	wrdreg $0xFFFFFFFF;
	(pc) =	sbr.abs _section_cstart, $3  }
0xc1: {  	[dreg:$0x1] =	wrdreg $0xFFFFFFFF  }
0xc2: {  	_ =	task.clear_ibuf [dreg:s7], $0x2FFFF;
	_ =	strace $0x9FFFFFFF  }
0xc3: {  	(tm) =	ssettm $0x7FFFFFFF  }
tec
execute0_lowered:
.L_overlay_start_1:
0x0: {  	(tag) =	ssettag $0x1  }
0x1: {  	s1 =	rddreg [dreg:$0x0]  }
0x2: {  	s4 =	rddreg [dreg:$0x1]  }
0x3: {  	s2 =	rddreg [dreg:$0x2];
	s3 =	srdreg.scid  }
0x4: {  	s0 =	rddreg [dreg:$0x3];
	s12 =	stileid.u32  }
0x5: {  	s17 =	simm.s32 $0x80;
	s18 =	simm.s32 $0x14980;
	s19 =	simm.s32 $0x1  }
0x6: {  	s20 =	simm.s32 $0x0;
	s5 =	sand.u32 $0x1, s3;
	s8 =	smul.u32 $0x4E000, s12  }
0x7: {  	s3 =	simm.s32 $0x0;
	s10 =	smul.u32 $0x13800, s12;
	s13 =	sadd.s32 $0x28E00, s4  }
0x8: {  	s26 =	sshll.u32 s12, $0x6;
	s15 =	sadd.s32 $0x138000, s2;
	s16 =	smul.u32 $0x9D0, s12  }
0x9: {  	p0 =	sne.s32 s12, $0x0;
	s6 =	smul.u32 $0x9D00, s5;
	[smem:$0x7FF] =	sst s3  }
0xa: {  	s7 =	ssub.s32 $0x2, s5;
	s25 =	smul.u32 $0x138800, s5;
	s5 =	sor.u32 $0x1C02, s26  }
0xb: {  	_ =	strace $0x80000047;
	s9 =	sshrl.u32 s7, $0x1;
	s23 =	sshrl.u32 s8, $0x2  }
0xc: {  	s24 =	sshrl.u32 s10, $0x3;
	s11 =	sadd.s32 s6, s4;
	s9 =	ssub.s32 s7, s9  }
0xd: {  	s14 =	sadd.s32 s23, s2;
	s4 =	sadd.s32 s1, s24;
	s28 =	sadd.s32 s10, s25  }
0xe: {  	s30 =	sshrl.u32 s25, $0x3;
	s6 =	sadd.s32 $0x27000, s1;
	s29 =	sshrl.u32 s28, $0x3  }
0xf: {  	s31 =	sadd.s32 s13, s30;
	s9 =	smax.u32 s9, $0x1;
	s11 =	sadd.s32 s16, s11  }
0x10: {  	s12 =	sshrl.u32 s14, $0x3;
	s14 =	sshrl.u32 @!p0 s15, $0x3;
	s15 =	simm.s32 $0x14880  }
0x11: {  	s16 =	simm.s32 $0x14900;
	s7 =	sadd.s32 s13, s29;
	s8 =	sadd.s32 $0x27000, s31  }
0x12: {  	s10 =	sadd.s32 $0x15400, s11;
	s11 =	sadd.s32 $0x1A00, s11;
	s13 =	simm.s32 $0x2  }
.LBB2_1:
0x13: {  	[spmem:s12], [sflag:s5] =	dma.local [hbm:s4], $0x2700  }
0x14: {  	_ =	swait.ge [sflag:s13], $0x2700  }
0x15: {  	[sflag:s13] =	ssyncset.done $0x0  }
0x16: {  	s21 =	simm.s32 @!p0 $0x2;
	[sflag:s13] =	ssyncadd.s32 $0xFFFFD900  }
0x17: {  	[spmem:s14], [sflag:s5] =	dma.local @!p0 [hbm:s6], $0x100  }
0x18: {  	_ =	swait.ge @!p0 [sflag:s21], $0x100  }
0x19: {  	[sflag:s21] =	ssyncset.done @!p0 $0x0  }
0x1a: {  	[sflag:s21] =	ssyncadd.s32 @!p0 $0xFFFFFF00  }
0x1b: {  	s30 =	sadd.s32 $0x0, s11;
	[bflag:$0x0] =	sbarrier.arrive $0xFFFF  }
0x1c: {  	[tilespmem:s15], [sflag:$0x2] =	stream.linear.gather [hbm4b:s30+s3], $0x80, $0x38;
	[tilespmem:$0x18980] =	vst v63  }
0x1d: {  	_ =	swait.ge [sflag:s13], $0x80  }
0x1e: {  	[sflag:s13] =	ssyncset.done $0x0  }
0x1f: {  	s31 =	sadd.s32 $0x0, s10;
	[sflag:s13] =	ssyncadd.s32 $0xFFFFFF80  }
0x20: {  	[tilespmem:s16], [sflag:$0x2] =	stream.linear.gather [hbm4b:s31+s3], $0x80, $0x38;
	[tilespmem:$0x18980] =	vst v63  }
0x21: {  	_ =	swait.ge [sflag:s13], $0x80  }
0x22: {  	[sflag:s13] =	ssyncset.done $0x0  }
0x23: {  	[sflag:s13] =	ssyncadd.s32 $0xFFFFFF80  }
0x24: {  	[tilespmem:s18], [sflag:$0x1] =	stream.indirect.gather [hbm4b:s1+s17], $0x80, s15, s17, $0xb8;
	[tilespmem:$0x18980] =	vst v63  }
0x25: {  	_ =	swait.ge [sflag:s19], $0x4000  }
0x26: {  	[sflag:s19] =	ssyncset.done $0x0  }
0x27: {  	[sflag:s19] =	ssyncadd.s32 $0xFFFFC000  }
0x28: {  	[spmem:s2] =	stream.indirect.scatter.add.f32 [tilespmem:s18], [sflag:$0x2], $0x80, s16, s17, $0xb8;
	[tilespmem:$0x18980] =	vst v63  }
0x29: {  	_ =	swait.ge [sflag:s13], $0x4000  }
0x2a: {  	s22 =	simm.s32 $0x20;
	s21 =	simm.s32 $0x10;
	[sflag:s13] =	ssyncset.done $0x0  }
.LBB2_2:
0x2b: {  	s23 =	sadd.s32 s21, s11  }
0x2c: {  	[sflag:s13] =	ssyncadd.s32 $0xFFFFC000;
	s24 =	smov.u32 s22;
	s25 =	sadd.s32 $0x10, s22  }
0x2d: {  	[tilespmem:s15], [sflag:$0x2] =	stream.linear.gather [hbm4b:s23+s3], $0x80, $0x38;
	[tilespmem:$0x18980] =	vst v63  }
0x2e: {  	p1 =	sne.s32 s22, $0x9C0;
	_ =	swait.ge [sflag:s13], $0x80  }
0x2f: {  	[sflag:s13] =	ssyncset.done $0x0  }
0x30: {  	s22 =	sadd.s32 s21, s10;
	s21 =	smov.u32 s24;
	[sflag:s13] =	ssyncadd.s32 $0xFFFFFF80  }
0x31: {  	[tilespmem:s16], [sflag:$0x2] =	stream.linear.gather [hbm4b:s22+s3], $0x80, $0x38;
	[tilespmem:$0x18980] =	vst v63  }
0x32: {  	_ =	swait.ge [sflag:s13], $0x80  }
0x33: {  	[sflag:s13] =	ssyncset.done $0x0  }
0x34: {  	[sflag:s13] =	ssyncadd.s32 $0xFFFFFF80  }
0x35: {  	[tilespmem:s18], [sflag:$0x1] =	stream.indirect.gather [hbm4b:s1+s17], $0x80, s15, s17, $0xb8;
	[tilespmem:$0x18980] =	vst v63  }
0x36: {  	_ =	swait.ge [sflag:s19], $0x4000  }
.Ltmp0:
0x37: {  	[sflag:s19] =	ssyncset.done $0x0;
	(pc) =	sbr.rel @p1 .LBB2_2-.Ltmp0, $4  }
0x38: {  	[sflag:s19] =	ssyncadd.s32 $0xFFFFC000  }
0x39: {  	[spmem:s2] =	stream.indirect.scatter.add.f32 [tilespmem:s18], [sflag:$0x2], $0x80, s16, s17, $0xb8;
	[tilespmem:$0x18980] =	vst v63  }
0x3a: {  	_ =	swait.ge [sflag:s13], $0x4000  }
0x3b: {  	s22 =	smov.u32 s25;
	[sflag:s13] =	ssyncset.done $0x0  }
0x3c: {  	s22 =	sadd.s32 s21, s11;
	[sflag:s13] =	ssyncadd.s32 $0xFFFFC000  }
0x3d: {  	[tilespmem:s15], [sflag:$0x2] =	stream.linear.gather [hbm4b:s22+s3], $0x80, $0x38;
	[tilespmem:$0x18980] =	vst v63  }
0x3e: {  	_ =	swait.ge [sflag:s13], $0x80  }
0x3f: {  	[sflag:s13] =	ssyncset.done $0x0  }
0x40: {  	s31 =	sadd.s32 s21, s10;
	[sflag:s13] =	ssyncadd.s32 $0xFFFFFF80  }
0x41: {  	[tilespmem:s16], [sflag:$0x2] =	stream.linear.gather [hbm4b:s31+s3], $0x80, $0x38;
	[tilespmem:$0x18980] =	vst v63  }
0x42: {  	_ =	swait.ge [sflag:s13], $0x80  }
0x43: {  	[sflag:s13] =	ssyncset.done $0x0  }
0x44: {  	[sflag:s13] =	ssyncadd.s32 $0xFFFFFF80  }
0x45: {  	[tilespmem:s18], [sflag:$0x1] =	stream.indirect.gather [hbm4b:s1+s17], $0x80, s15, s17, $0xb8;
	[tilespmem:$0x18980] =	vst v63  }
0x46: {  	_ =	swait.ge [sflag:s19], $0x4000  }
0x47: {  	[sflag:s19] =	ssyncset.done $0x0  }
0x48: {  	[sflag:s19] =	ssyncadd.s32 $0xFFFFC000  }
0x49: {  	[spmem:s2] =	stream.indirect.scatter.add.f32 [tilespmem:s18], [sflag:$0x2], $0x80, s16, s17, $0xb8;
	[tilespmem:$0x18980] =	vst v63  }
0x4a: {  	_ =	swait.ge [sflag:s13], $0x4000  }
0x4b: {  	[sflag:s13] =	ssyncset.done $0x0  }
0x4c: {  	[sflag:s13] =	ssyncadd.s32 $0xFFFFC000  }
0x4d: {  	[bflag:$0x0] =	sbarrier.arrive $0xFFFF  }
0x4e: {  	[hbm:s7], [sflag:s5] =	dma.local [spmem:s12], $0x2700  }
0x4f: {  	s20 =	sadd.s32 $0x1, s20;
	_ =	swait.ge [sflag:s13], $0x2700  }
0x50: {  	p1 =	sne.s32 s20, s9;
	[sflag:s13] =	ssyncset.done $0x0  }
.Ltmp1:
0x51: {  	s21 =	simm.s32 @!p0 $0x2;
	[sflag:s13] =	ssyncadd.s32 $0xFFFFD900;
	(pc) =	sbr.rel @p1 .LBB2_1-.Ltmp1, $4  }
0x52: {  	[hbm:s8], [sflag:s5] =	dma.local @!p0 [spmem:s14], $0x100  }
0x53: {  	_ =	swait.ge @!p0 [sflag:s21], $0x100  }
0x54: {  	[sflag:s21] =	ssyncset.done @!p0 $0x0  }
0x55: {  	[sflag:s21] =	ssyncadd.s32 @!p0 $0xFFFFFF00  }
0x56: {  	_ =	sfence.sel $0x180000  }
0x57: {  	[bflag:$0x0] =	sbarrier.arrive $0xFFFF  }
0x58: {  	_ =	strace $0x90000047  }
0x59: {  	s0 =	sadd.s32 @!p0 $0x100000, s0;
	[bflag:$0x2] =	sbarrier.arrive $0xFFFF  }
0x5a: {  	[sflag:s0] =	ssyncadd.tile.s32 @!p0 $0x1;
	_ =	shalt  }
.Lfunc_end2:
_tile_overlayer_lowered:
.L_overlay_start_2:
0x5b: {  	(tag) =	ssettag $0x2  }
0x5c: {  	s0 =	rddreg [dreg:$0x0];
	s2 =	stileid.u32  }
0x5d: {  	s1 =	rddreg [dreg:$0x1];
	p0 =	sne.s32 s2, $0x0  }
0x5e: {  	s3 =	rddreg [dreg:$0x2];
	[bflag:$0x3] =	sbarrier.arrive $0xFFFF;
	s2 =	simm.s32 @!p0 $0x1C02  }
0x5f: {  	[timem:s3], [sflag:s2] =	dma.local @!p0 [hbm:s0], s1  }
0x60: {  	s0 =	simm.s32 @!p0 $0x2  }
0x61: {  	_ =	swait.ge @!p0 [sflag:s0], s1  }
0x62: {  	s1 =	ssub.s32 @!p0 $0x0, s1;
	[sflag:s0] =	ssyncset.done @!p0 $0x0  }
0x63: {  	[sflag:s0] =	ssyncadd.s32 @!p0 s1  }
0x64: {  	[bflag:$0x3] =	sbarrier.arrive $0xFFFF  }
0x65: {  	_ =	shalt  }

</sc_bundles>
